<compile_context>
chip_gen: v7x
topology: tpu7x:2x2x1
jax: 0.10.2.dev20260603
libtpu: 0.0.44.dev20260713+nightly
codegen_flags: <defaults>
</compile_context>

<pallas_src>
import functools

import jax
import jax.numpy as jnp
from jax import lax
from jax.experimental import pallas as pl

_THRESH = 0.5
_VAR0 = 0.1
_VAR1 = 0.2
_NEGPOS = 3


def _match_loss_kernel(tgt_ref, pt_ref, locT_ref, ct_ref, ll_ref):
    b = pl.program_id(0)
    tt = tgt_ref[0]
    T = tt.shape[0]
    cx = pt_ref[0:1, :]
    cy = pt_ref[1:2, :]
    w = pt_ref[2:3, :]
    h = pt_ref[3:4, :]
    px1 = cx - w * 0.5
    py1 = cy - h * 0.5
    px2 = cx + w * 0.5
    py2 = cy + h * 0.5
    tx1 = tt[:, 0:1]
    ty1 = tt[:, 1:2]
    tx2 = tt[:, 2:3]
    ty2 = tt[:, 3:4]
    iw = jnp.maximum(jnp.minimum(tx2, px2) - jnp.maximum(tx1, px1), 0.0)
    ih = jnp.maximum(jnp.minimum(ty2, py2) - jnp.maximum(ty1, py1), 0.0)
    inter = iw * ih
    area_t = (tx2 - tx1) * (ty2 - ty1)
    area_p = (px2 - px1) * (py2 - py1)
    ov = inter / (area_t + area_p - inter)

    bpi = jnp.argmax(ov, axis=1, keepdims=True).astype(jnp.int32)
    iota_p = lax.broadcasted_iota(jnp.int32, (1, ov.shape[1]), 1)
    iota_t = lax.broadcasted_iota(jnp.int32, (T, 1), 0)
    force = bpi == iota_p
    idx_over = jnp.max(jnp.where(force, iota_t, -1), axis=0, keepdims=True)
    forced = idx_over >= 0
    bto = jnp.max(ov, axis=0, keepdims=True)
    bti = jnp.argmax(ov, axis=0, keepdims=True).astype(jnp.int32)
    bti = jnp.where(forced, idx_over, bti)
    bov = jnp.where(forced, 2.0, bto)

    sel = (bti == iota_t).astype(jnp.float32)
    matched = jnp.dot(tt.T, sel,
                      preferred_element_type=jnp.float32)
    mx1 = matched[0:1, :]
    my1 = matched[1:2, :]
    mx2 = matched[2:3, :]
    my2 = matched[3:4, :]
    mlab = matched[4:5, :]

    conf_t = jnp.where(bov < _THRESH, 0,
                       mlab.astype(jnp.int32) + 1)
    ct_ref[0] = conf_t

    g_cx = ((mx1 + mx2) * 0.5 - cx) / (_VAR0 * w)
    g_cy = ((my1 + my2) * 0.5 - cy) / (_VAR0 * h)
    g_w = jnp.log((mx2 - mx1) / w) / _VAR1
    g_h = jnp.log((my2 - my1) / h) / _VAR1
    posf = (conf_t > 0).astype(jnp.float32)
    lt = locT_ref[0]
    ll = jnp.zeros((1, 1), jnp.float32)
    for comp, g in enumerate((g_cx, g_cy, g_w, g_h)):
        d = lt[comp:comp + 1, :] - g
        ad = jnp.abs(d)
        sl1 = jnp.where(ad < 1.0, 0.5 * d * d, ad - 0.5)
        ll = ll + jnp.sum(sl1 * posf, keepdims=True)

    @pl.when(b == 0)
    def _():
        ll_ref[...] = jnp.zeros_like(ll_ref)

    ll_ref[...] += ll


def _conf_loss_kernel3d(conf_ref, idx_ref, out_ref):
    x = conf_ref[...]
    C = x.shape[1]
    lse = jnp.log(jnp.sum(jnp.exp(x), axis=1, keepdims=True))
    idx = idx_ref[...]
    iota_c = lax.broadcasted_iota(jnp.int32, (1, C, 1), 1)
    onehot = idx == iota_c
    gathered = jnp.sum(jnp.where(onehot, x, 0.0), axis=1, keepdims=True)
    out_ref[...] = lse - gathered


def _conf_loss_kernel(conf_ref, idx_ref, out_ref):
    x = conf_ref[...]
    C = x.shape[0]
    lse = jnp.log(jnp.sum(jnp.exp(x), axis=0, keepdims=True))
    idx = idx_ref[...]
    iota_c = lax.broadcasted_iota(jnp.int32, (C, 1), 0)
    onehot = idx == iota_c
    gathered = jnp.sum(jnp.where(onehot, x, 0.0), axis=0, keepdims=True)
    out_ref[...] = lse - gathered


def _mining_kernel(lc_ref, ct_ref, lc_out_ref, np_out_ref, *, p_real):
    v = lc_ref[...]
    ct = ct_ref[...]
    pos = ct > 0
    num_pos = jnp.sum(pos.astype(jnp.int32), axis=1, keepdims=True)
    mined = jnp.where(pos, 0.0, v)
    bits = lax.bitcast_convert_type(mined, jnp.int32)
    k = jnp.minimum(_NEGPOS * num_pos, p_real - 1)

    def body(i, t):
        cand = t | lax.shift_left(jnp.int32(1), jnp.int32(30) - i)
        cnt = jnp.sum((bits >= cand).astype(jnp.int32), axis=1,
                      keepdims=True)
        return jnp.where(cnt >= k, cand, t)

    t0 = jnp.zeros_like(k)
    t = lax.fori_loop(0, 31, body, t0)
    tf = lax.bitcast_convert_type(t, jnp.float32)
    gt = bits > t
    c_gt = jnp.sum(gt.astype(jnp.int32), axis=1, keepdims=True)
    s_gt = jnp.sum(jnp.where(gt, mined, 0.0), axis=1, keepdims=True)
    topk = s_gt + (k - c_gt).astype(jnp.float32) * tf
    topk = jnp.where(k > 0, topk, 0.0)
    lc_b = jnp.sum(jnp.where(pos, v, 0.0), axis=1, keepdims=True) + topk

    lc_out_ref[...] = jnp.sum(lc_b, keepdims=True)
    np_out_ref[...] = jnp.sum(num_pos.astype(jnp.float32), keepdims=True)


def _pick_cols(n):
    for d in (8832, 8192, 4096, 2048, 1024, 512, 256, 128):
        if n % d == 0:
            return d
    return n


def kernel(loc, conf, targets, priors):
    B, P, _ = loc.shape
    C = conf.shape[-1]
    T = targets.shape[1]
    Pp = ((P + 127) // 128) * 128

    pt = jnp.transpose(priors, (1, 0))
    if Pp > P:
        padcol = jnp.tile(
            jnp.array([[1000.0], [1000.0], [1.0], [1.0]], jnp.float32),
            (1, Pp - P))
        pt = jnp.concatenate([pt, padcol], axis=1)
    locT = jnp.transpose(loc, (0, 2, 1))
    if Pp > P:
        locT = jnp.pad(locT, ((0, 0), (0, 0), (0, Pp - P)))

    ct_pad, ll_sum = pl.pallas_call(
        _match_loss_kernel,
        grid=(B,),
        in_specs=[
            pl.BlockSpec((1, T, 5), lambda b: (b, 0, 0)),
            pl.BlockSpec((4, Pp), lambda b: (0, 0)),
            pl.BlockSpec((1, 4, Pp), lambda b: (b, 0, 0)),
        ],
        out_specs=[
            pl.BlockSpec((1, 1, Pp), lambda b: (b, 0, 0)),
            pl.BlockSpec((1, 1), lambda b: (0, 0)),
        ],
        out_shape=[
            jax.ShapeDtypeStruct((B, 1, Pp), jnp.int32),
            jax.ShapeDtypeStruct((1, 1), jnp.float32),
        ],
    )(targets, pt, locT)

    if (B * P) % 128 == 0:
        rows6 = B * P // 128
        kk = rows6
        for d in (69, 89, 64, 32, 23, 16, 8, 4, 2, 1):
            if rows6 % d == 0:
                kk = d
                break
        ct_flat = ct_pad[:, 0, :P].reshape(rows6, 1, 128)
        confT3 = jnp.swapaxes(conf.reshape(rows6, 128, C), 1, 2)
        lc_flat = pl.pallas_call(
            _conf_loss_kernel3d,
            grid=(rows6 // kk,),
            in_specs=[
                pl.BlockSpec((kk, C, 128), lambda i: (i, 0, 0)),
                pl.BlockSpec((kk, 1, 128), lambda i: (i, 0, 0)),
            ],
            out_specs=pl.BlockSpec((kk, 1, 128), lambda i: (i, 0, 0)),
            out_shape=jax.ShapeDtypeStruct((rows6, 1, 128), jnp.float32),
        )(confT3, ct_flat)
    else:
        ct_flat = ct_pad[:, 0, :P].reshape(1, B * P)
        confT = jnp.transpose(conf.reshape(B * P, C), (1, 0))
        Rl = _pick_cols(B * P)
        lc_flat = pl.pallas_call(
            _conf_loss_kernel,
            grid=(B * P // Rl,),
            in_specs=[
                pl.BlockSpec((C, Rl), lambda i: (0, i)),
                pl.BlockSpec((1, Rl), lambda i: (0, i)),
            ],
            out_specs=pl.BlockSpec((1, Rl), lambda i: (0, i)),
            out_shape=jax.ShapeDtypeStruct((1, B * P), jnp.float32),
        )(confT, ct_flat)

    lc3 = jnp.pad(lc_flat.reshape(B, P), ((0, 0), (0, Pp - P)))
    ct3 = ct_pad.reshape(B, Pp)
    lc_sum, np_sum = pl.pallas_call(
        functools.partial(_mining_kernel, p_real=P),
        grid=(1,),
        in_specs=[
            pl.BlockSpec((B, Pp), lambda i: (0, 0)),
            pl.BlockSpec((B, Pp), lambda i: (0, 0)),
        ],
        out_specs=[
            pl.BlockSpec((1, 1), lambda i: (0, 0)),
            pl.BlockSpec((1, 1), lambda i: (0, 0)),
        ],
        out_shape=[
            jax.ShapeDtypeStruct((1, 1), jnp.float32),
            jax.ShapeDtypeStruct((1, 1), jnp.float32),
        ],
    )(lc3, ct3)

    n = jnp.maximum(np_sum[0, 0], 1.0)
    return ll_sum[0, 0] / n, lc_sum[0, 0] / n

# --- scband reference (transcript-rebuilt; emitter-appended) ---
"""Pipeline reference for scband-multi-box-loss-69698729279762 (READ-ONLY COPY).

The authoritative reference and input builder live on the scoring server;
editing this copy changes nothing except your own understanding.
"""

import jax, jax.numpy as jnp
import numpy as np

NUM_CLASSES = 81
THRESHOLD = 0.5
VAR0 = 0.1
VAR1 = 0.2
NEGPOS_RATIO = 3
B = 32
P = 24564
NOBJ = 16


def point_form(priors):
    return jnp.concatenate([priors[:, :2] - priors[:, 2:] / 2.0, priors[:, :2] + priors[:, 2:] / 2.0], axis=1)


def intersect(a, b):
    max_xy = jnp.minimum(a[:, None, 2:], b[None, :, 2:])
    min_xy = jnp.maximum(a[:, None, :2], b[None, :, :2])
    inter = jnp.maximum(max_xy - min_xy, 0.0)
    return inter[..., 0] * inter[..., 1]


def jaccard(a, b):
    inter = intersect(a, b)
    area_a = ((a[:, 2] - a[:, 0]) * (a[:, 3] - a[:, 1]))[:, None]
    area_b = ((b[:, 2] - b[:, 0]) * (b[:, 3] - b[:, 1]))[None, :]
    return inter / (area_a + area_b - inter)


def encode(matched, priors):
    g_cxcy = (matched[:, :2] + matched[:, 2:]) / 2.0 - priors[:, :2]
    g_cxcy = g_cxcy / (VAR0 * priors[:, 2:])
    g_wh = (matched[:, 2:] - matched[:, :2]) / priors[:, 2:]
    g_wh = jnp.log(g_wh) / VAR1
    return jnp.concatenate([g_cxcy, g_wh], axis=1)


def match_one(truths, labels, priors, priors_pf):
    overlaps = jaccard(truths, priors_pf)
    best_prior_idx = jnp.argmax(overlaps, axis=1)
    best_truth_overlap = jnp.max(overlaps, axis=0)
    best_truth_idx = jnp.argmax(overlaps, axis=0)
    best_truth_overlap = best_truth_overlap.at[best_prior_idx].set(2.0)
    best_truth_idx = best_truth_idx.at[best_prior_idx].set(jnp.arange(truths.shape[0]))
    matches = truths[best_truth_idx]
    conf = labels[best_truth_idx] + 1
    conf = jnp.where(best_truth_overlap < THRESHOLD, 0, conf)
    loc_t = encode(matches, priors)
    return loc_t, conf


def multibox_forward(loc, conf, targets, priors):
    priors_pf = point_form(priors)

    def m(t):
        return match_one(t[:, :4], t[:, 4].astype(jnp.int32), priors, priors_pf)

    loc_t, conf_t = jax.vmap(m)(targets)
    pos = conf_t > 0
    # smooth L1 over positive priors, sum reduction (size_average=False)
    diff = loc - loc_t
    ad = jnp.abs(diff)
    sl1 = jnp.where(ad < 1.0, 0.5 * diff * diff, ad - 0.5)
    loss_l = jnp.sum(sl1 * pos[..., None].astype(loc.dtype))
    # hard negative mining
    lse = jax.nn.logsumexp(conf, axis=-1)
    gathered = jnp.take_along_axis(conf, conf_t[..., None], axis=-1)[..., 0]
    loss_c_all = lse - gathered
    mined = jnp.where(pos, 0.0, loss_c_all)
    loss_idx = jnp.argsort(-mined, axis=1)
    idx_rank = jnp.argsort(loss_idx, axis=1)
    num_pos = jnp.sum(pos.astype(jnp.int32), axis=1, keepdims=True)
    num_neg = jnp.minimum(NEGPOS_RATIO * num_pos, pos.shape[1] - 1)
    neg = idx_rank < num_neg
    sel = (pos | neg).astype(conf.dtype)
    # cross-entropy with sum reduction over selected pos+neg priors
    loss_c = jnp.sum(loss_c_all * sel)
    N = jnp.maximum(jnp.sum(num_pos).astype(jnp.float32), 1.0)
    return loss_l / N, loss_c / N


def setup_inputs(seed: int = 0):
    key = jax.random.key(seed)
    k1, k2, k3, k4, k5, k6 = jax.random.split(key, 6)
    loc = jax.random.normal(k1, (B, P, 4), dtype=jnp.float32) * 0.1
    conf = jax.random.normal(k2, (B, P, NUM_CLASSES), dtype=jnp.float32)
    cxcy = jax.random.uniform(k3, (P, 2), minval=0.05, maxval=0.95)
    wh = jax.random.uniform(k4, (P, 2), minval=0.05, maxval=0.5)
    priors = jnp.concatenate([cxcy, wh], axis=1).astype(jnp.float32)
    centers = jax.random.uniform(k5, (B, NOBJ, 2), minval=0.2, maxval=0.8)
    sizes = jax.random.uniform(k6, (B, NOBJ, 2), minval=0.05, maxval=0.3)
    boxes = jnp.concatenate([centers - sizes / 2.0, centers + sizes / 2.0], axis=-1)
    labels = jax.random.randint(jax.random.fold_in(key, 7), (B, NOBJ, 1), 0, NUM_CLASSES - 1).astype(jnp.float32)
    targets = jnp.concatenate([boxes, labels], axis=-1).astype(jnp.float32)
    return {"loc": loc, "conf": conf, "targets": targets, "priors": priors}


def reference(loc, conf, targets, priors):
    return multibox_forward(loc, conf, targets, priors)

if __name__ == "__main__":
    import jax
    _d = setup_inputs()
    print(jax.jit(kernel)(*tuple(_d.values())))

</pallas_src>

<mosaic_0001>
module attributes {stable_mosaic.version = 14 : i64} {
  func.func @_match_loss_kernel(%arg0: i32, %arg1: memref<1x16x5xf32, #tpu.memory_space<vmem>>, %arg2: memref<4x24576xf32, #tpu.memory_space<vmem>>, %arg3: memref<1x4x24576xf32, #tpu.memory_space<vmem>>, %arg4: memref<1x1x24576xi32, #tpu.memory_space<vmem>>, %arg5: memref<1x1xf32, #tpu.memory_space<vmem>>) attributes {dimension_semantics = [#tpu.dimension_semantics<arbitrary>], iteration_bounds = array<i64: 32>, scalar_prefetch = 0 : i64, scratch_operands = 0 : i64, tpu.core_type = #tpu.core_type<tc>, window_params = [{transform_indices = @transform_0, window_bounds = array<i64: 1, 16, 5>}, {pipeline_mode = #tpu.pipeline_mode<synchronous>, transform_indices = @transform_1, window_bounds = array<i64: 4, 24576>}, {transform_indices = @transform_2, window_bounds = array<i64: 1, 4, 24576>}, {transform_indices = @transform_3, window_bounds = array<i64: 1, 1, 24576>}, {pipeline_mode = #tpu.pipeline_mode<synchronous>, transform_indices = @transform_4, window_bounds = array<i64: 1, 1>}]} {
    %get3A = arith.constant 0 : index
    %get3A_0 = arith.constant 0 : index
    %get3A_1 = arith.constant 0 : index
    %get3A_2 = vector.load %arg1[%get3A, %get3A_0, %get3A_1] : memref<1x16x5xf32, #tpu.memory_space<vmem>>, vector<1x16x5xf32>
    %get3A_3 = vector.shape_cast %get3A_2 : vector<1x16x5xf32> to vector<16x5xf32>
    %get3A_4 = arith.constant 0 : index
    %get3A_5 = arith.constant 0 : index
    %get3A_6 = vector.load %arg2[%get3A_4, %get3A_5] : memref<4x24576xf32, #tpu.memory_space<vmem>>, vector<1x24576xf32>
    %get3A_7 = arith.constant 1 : index
    %get3A_8 = arith.constant 0 : index
    %get3A_9 = vector.load %arg2[%get3A_7, %get3A_8] : memref<4x24576xf32, #tpu.memory_space<vmem>>, vector<1x24576xf32>
    %get3A_10 = arith.constant 2 : index
    %get3A_11 = arith.constant 0 : index
    %get3A_12 = vector.load %arg2[%get3A_10, %get3A_11] : memref<4x24576xf32, #tpu.memory_space<vmem>>, vector<1x24576xf32>
    %get3A_13 = arith.constant 3 : index
    %get3A_14 = arith.constant 0 : index
    %get3A_15 = vector.load %arg2[%get3A_13, %get3A_14] : memref<4x24576xf32, #tpu.memory_space<vmem>>, vector<1x24576xf32>
    %mul3A = arith.constant 5.000000e-01 : f32
    %mul3A_16 = vector.broadcast %mul3A : f32 to vector<1x24576xf32>
    %mul3A_17 = arith.mulf %get3A_12, %mul3A_16 : vector<1x24576xf32>
    %sub3A = arith.subf %get3A_6, %mul3A_17 : vector<1x24576xf32>
    %mul3A_18 = arith.constant 5.000000e-01 : f32
    %mul3A_19 = vector.broadcast %mul3A_18 : f32 to vector<1x24576xf32>
    %mul3A_20 = arith.mulf %get3A_15, %mul3A_19 : vector<1x24576xf32>
    %sub3A_21 = arith.subf %get3A_9, %mul3A_20 : vector<1x24576xf32>
    %mul3A_22 = arith.constant 5.000000e-01 : f32
    %mul3A_23 = vector.broadcast %mul3A_22 : f32 to vector<1x24576xf32>
    %mul3A_24 = arith.mulf %get3A_12, %mul3A_23 : vector<1x24576xf32>
    %add3A = arith.addf %get3A_6, %mul3A_24 : vector<1x24576xf32>
    %mul3A_25 = arith.constant 5.000000e-01 : f32
    %mul3A_26 = vector.broadcast %mul3A_25 : f32 to vector<1x24576xf32>
    %mul3A_27 = arith.mulf %get3A_15, %mul3A_26 : vector<1x24576xf32>
    %add3A_28 = arith.addf %get3A_9, %mul3A_27 : vector<1x24576xf32>
    %slice3A = vector.extract_strided_slice %get3A_3 {offsets = [0, 0], sizes = [16, 1], strides = [1, 1]} : vector<16x5xf32> to vector<16x1xf32>
    %slice3A_29 = vector.extract_strided_slice %get3A_3 {offsets = [0, 1], sizes = [16, 1], strides = [1, 1]} : vector<16x5xf32> to vector<16x1xf32>
    %slice3A_30 = vector.extract_strided_slice %get3A_3 {offsets = [0, 2], sizes = [16, 1], strides = [1, 1]} : vector<16x5xf32> to vector<16x1xf32>
    %slice3A_31 = vector.extract_strided_slice %get3A_3 {offsets = [0, 3], sizes = [16, 1], strides = [1, 1]} : vector<16x5xf32> to vector<16x1xf32>
    %min3A = vector.broadcast %slice3A_30 : vector<16x1xf32> to vector<16x24576xf32>
    %min3A_32 = vector.broadcast %add3A : vector<1x24576xf32> to vector<16x24576xf32>
    %min3A_33 = arith.minimumf %min3A, %min3A_32 : vector<16x24576xf32>
    %max3A = vector.broadcast %slice3A : vector<16x1xf32> to vector<16x24576xf32>
    %max3A_34 = vector.broadcast %sub3A : vector<1x24576xf32> to vector<16x24576xf32>
    %max3A_35 = arith.maximumf %max3A, %max3A_34 : vector<16x24576xf32>
    %sub3A_36 = arith.subf %min3A_33, %max3A_35 : vector<16x24576xf32>
    %max3A_37 = arith.constant 0.000000e+00 : f32
    %max3A_38 = vector.broadcast %max3A_37 : f32 to vector<16x24576xf32>
    %max3A_39 = arith.maximumf %sub3A_36, %max3A_38 : vector<16x24576xf32>
    %min3A_40 = vector.broadcast %slice3A_31 : vector<16x1xf32> to vector<16x24576xf32>
    %min3A_41 = vector.broadcast %add3A_28 : vector<1x24576xf32> to vector<16x24576xf32>
    %min3A_42 = arith.minimumf %min3A_40, %min3A_41 : vector<16x24576xf32>
    %max3A_43 = vector.broadcast %slice3A_29 : vector<16x1xf32> to vector<16x24576xf32>
    %max3A_44 = vector.broadcast %sub3A_21 : vector<1x24576xf32> to vector<16x24576xf32>
    %max3A_45 = arith.maximumf %max3A_43, %max3A_44 : vector<16x24576xf32>
    %sub3A_46 = arith.subf %min3A_42, %max3A_45 : vector<16x24576xf32>
    %max3A_47 = arith.constant 0.000000e+00 : f32
    %max3A_48 = vector.broadcast %max3A_47 : f32 to vector<16x24576xf32>
    %max3A_49 = arith.maximumf %sub3A_46, %max3A_48 : vector<16x24576xf32>
    %mul3A_50 = arith.mulf %max3A_39, %max3A_49 : vector<16x24576xf32>
    %sub3A_51 = arith.subf %slice3A_30, %slice3A : vector<16x1xf32>
    %sub3A_52 = arith.subf %slice3A_31, %slice3A_29 : vector<16x1xf32>
    %mul3A_53 = arith.mulf %sub3A_51, %sub3A_52 : vector<16x1xf32>
    %sub3A_54 = arith.subf %add3A, %sub3A : vector<1x24576xf32>
    %sub3A_55 = arith.subf %add3A_28, %sub3A_21 : vector<1x24576xf32>
    %mul3A_56 = arith.mulf %sub3A_54, %sub3A_55 : vector<1x24576xf32>
    %add3A_57 = vector.broadcast %mul3A_53 : vector<16x1xf32> to vector<16x24576xf32>
    %add3A_58 = vector.broadcast %mul3A_56 : vector<1x24576xf32> to vector<16x24576xf32>
    %add3A_59 = arith.addf %add3A_57, %add3A_58 : vector<16x24576xf32>
    %sub3A_60 = arith.subf %add3A_59, %mul3A_50 : vector<16x24576xf32>
    %div3A = arith.divf %mul3A_50, %sub3A_60 : vector<16x24576xf32>
    %argmax3A = tpu.reduce_index %div3A {axis = 1 : i32, kind = #tpu.reduction_kind<arg_max>} : vector<16x24576xf32> -> vector<16xi32>
    %broadcast_in_dim3A = vector.shape_cast %argmax3A : vector<16xi32> to vector<16x1xi32>
    %iota3A = tpu.iota {dimensions = array<i32: 1>} : vector<1x24576xi32>
    %iota3A_61 = tpu.iota {dimensions = array<i32: 0>} : vector<16x1xi32>
    %eq3A = vector.broadcast %broadcast_in_dim3A : vector<16x1xi32> to vector<16x24576xi32>
    %eq3A_62 = vector.broadcast %iota3A : vector<1x24576xi32> to vector<16x24576xi32>
    %eq3A_63 = arith.cmpi eq, %eq3A, %eq3A_62 : vector<16x24576xi32>
    %jit3A = arith.constant -1 : i32
    %broadcast_in_dim3A_64 = vector.shape_cast %iota3A_61 : vector<16x1xi32> to vector<16x1xi32>
    %broadcast_in_dim3A_65 = vector.broadcast %broadcast_in_dim3A_64 : vector<16x1xi32> to vector<16x24576xi32>
    %broadcast_in_dim3A_66 = vector.broadcast %jit3A : i32 to vector<16x24576xi32>
    %select_n3A = arith.select %eq3A_63, %broadcast_in_dim3A_65, %broadcast_in_dim3A_66 : vector<16x24576xi1>, vector<16x24576xi32>
    %reduce_max3A = arith.constant dense<-2147483648> : vector<24576xi32>
    %reduce_max3A_67 = vector.multi_reduction <maxsi>, %select_n3A, %reduce_max3A [0] : vector<16x24576xi32> to vector<24576xi32>
    %broadcast_in_dim3A_68 = vector.shape_cast %reduce_max3A_67 : vector<24576xi32> to vector<1x24576xi32>
    %ge3A = arith.constant 0 : i32
    %ge3A_69 = vector.broadcast %ge3A : i32 to vector<1x24576xi32>
    %ge3A_70 = arith.cmpi sge, %broadcast_in_dim3A_68, %ge3A_69 : vector<1x24576xi32>
    %reduce_max3A_71 = arith.constant dense<0xFF800000> : vector<24576xf32>
    %reduce_max3A_72 = vector.multi_reduction <maximumf>, %div3A, %reduce_max3A_71 [0] : vector<16x24576xf32> to vector<24576xf32>
    %broadcast_in_dim3A_73 = vector.shape_cast %reduce_max3A_72 : vector<24576xf32> to vector<1x24576xf32>
    %argmax3A_74 = tpu.reduce_index %div3A {axis = 0 : i32, kind = #tpu.reduction_kind<arg_max>} : vector<16x24576xf32> -> vector<24576xi32>
    %broadcast_in_dim3A_75 = vector.shape_cast %argmax3A_74 : vector<24576xi32> to vector<1x24576xi32>
    %select_n3A_76 = arith.select %ge3A_70, %broadcast_in_dim3A_68, %broadcast_in_dim3A_75 : vector<1x24576xi1>, vector<1x24576xi32>
    %jit3A_77 = arith.constant 2.000000e+00 : f32
    %broadcast_in_dim3A_78 = vector.broadcast %jit3A_77 : f32 to vector<1x24576xf32>
    %select_n3A_79 = arith.select %ge3A_70, %broadcast_in_dim3A_78, %broadcast_in_dim3A_73 : vector<1x24576xi1>, vector<1x24576xf32>
    %eq3A_80 = vector.broadcast %select_n3A_76 : vector<1x24576xi32> to vector<16x24576xi32>
    %eq3A_81 = vector.broadcast %iota3A_61 : vector<16x1xi32> to vector<16x24576xi32>
    %eq3A_82 = arith.cmpi eq, %eq3A_80, %eq3A_81 : vector<16x24576xi32>
    %convert_element_type3A = arith.extui %eq3A_82 : vector<16x24576xi1> to vector<16x24576xi32>
    %convert_element_type3A_83 = arith.sitofp %convert_element_type3A : vector<16x24576xi32> to vector<16x24576xf32>
    %transpose3A = tpu.transpose %get3A_3, [1, 0] : vector<16x5xf32> -> vector<5x16xf32>
    %dot_general3A = arith.constant dense<0.000000e+00> : vector<5x24576xf32>
    %dot_general3A_84 = tpu.matmul %transpose3A, %convert_element_type3A_83, %dot_general3A {dimension_numbers = #tpu.dot_dimension_numbers<[1], [0], [0], [1], [0, 0, 1, 1], [], []>, transpose_lhs_hint = false} : vector<5x16xf32>, vector<16x24576xf32>, vector<5x24576xf32> -> vector<5x24576xf32>
    %slice3A_85 = vector.extract_strided_slice %dot_general3A_84 {offsets = [0, 0], sizes = [1, 24576], strides = [1, 1]} : vector<5x24576xf32> to vector<1x24576xf32>
    %slice3A_86 = vector.extract_strided_slice %dot_general3A_84 {offsets = [1, 0], sizes = [1, 24576], strides = [1, 1]} : vector<5x24576xf32> to vector<1x24576xf32>
    %slice3A_87 = vector.extract_strided_slice %dot_general3A_84 {offsets = [2, 0], sizes = [1, 24576], strides = [1, 1]} : vector<5x24576xf32> to vector<1x24576xf32>
    %slice3A_88 = vector.extract_strided_slice %dot_general3A_84 {offsets = [3, 0], sizes = [1, 24576], strides = [1, 1]} : vector<5x24576xf32> to vector<1x24576xf32>
    %slice3A_89 = vector.extract_strided_slice %dot_general3A_84 {offsets = [4, 0], sizes = [1, 24576], strides = [1, 1]} : vector<5x24576xf32> to vector<1x24576xf32>
    %lt3A = arith.constant 5.000000e-01 : f32
    %lt3A_90 = vector.broadcast %lt3A : f32 to vector<1x24576xf32>
    %lt3A_91 = arith.cmpf olt, %select_n3A_79, %lt3A_90 : vector<1x24576xf32>
    %convert_element_type3A_92 = arith.fptosi %slice3A_89 : vector<1x24576xf32> to vector<1x24576xi32>
    %add3A_93 = arith.constant 1 : i32
    %add3A_94 = vector.broadcast %add3A_93 : i32 to vector<1x24576xi32>
    %add3A_95 = arith.addi %convert_element_type3A_92, %add3A_94 : vector<1x24576xi32>
    %jit3A_96 = arith.constant 0 : i32
    %broadcast_in_dim3A_97 = vector.broadcast %jit3A_96 : i32 to vector<1x24576xi32>
    %select_n3A_98 = arith.select %lt3A_91, %broadcast_in_dim3A_97, %add3A_95 : vector<1x24576xi1>, vector<1x24576xi32>
    %swap3A = arith.constant 0 : index
    %swap3A_99 = arith.constant 0 : index
    %swap3A_100 = arith.constant 0 : index
    %swap3A_101 = vector.load %arg4[%swap3A, %swap3A_99, %swap3A_100] : memref<1x1x24576xi32, #tpu.memory_space<vmem>>, vector<1x1x24576xi32>
    %swap3A_102 = vector.shape_cast %swap3A_101 : vector<1x1x24576xi32> to vector<1x24576xi32>
    %swap3A_103 = vector.shape_cast %select_n3A_98 : vector<1x24576xi32> to vector<1x1x24576xi32>
    tpu.vector_store %arg4[%swap3A, %swap3A_99, %swap3A_100], %swap3A_103 {strides = array<i32>} : memref<1x1x24576xi32, #tpu.memory_space<vmem>>, vector<1x1x24576xi32>,
    %add3A_104 = arith.addf %slice3A_85, %slice3A_87 : vector<1x24576xf32>
    %mul3A_105 = arith.constant 5.000000e-01 : f32
    %mul3A_106 = vector.broadcast %mul3A_105 : f32 to vector<1x24576xf32>
    %mul3A_107 = arith.mulf %add3A_104, %mul3A_106 : vector<1x24576xf32>
    %sub3A_108 = arith.subf %mul3A_107, %get3A_6 : vector<1x24576xf32>
    %mul3A_109 = arith.constant 1.000000e-01 : f32
    %mul3A_110 = vector.broadcast %mul3A_109 : f32 to vector<1x24576xf32>
    %mul3A_111 = arith.mulf %mul3A_110, %get3A_12 : vector<1x24576xf32>
    %div3A_112 = arith.divf %sub3A_108, %mul3A_111 : vector<1x24576xf32>
    %add3A_113 = arith.addf %slice3A_86, %slice3A_88 : vector<1x24576xf32>
    %mul3A_114 = arith.constant 5.000000e-01 : f32
    %mul3A_115 = vector.broadcast %mul3A_114 : f32 to vector<1x24576xf32>
    %mul3A_116 = arith.mulf %add3A_113, %mul3A_115 : vector<1x24576xf32>
    %sub3A_117 = arith.subf %mul3A_116, %get3A_9 : vector<1x24576xf32>
    %mul3A_118 = arith.constant 1.000000e-01 : f32
    %mul3A_119 = vector.broadcast %mul3A_118 : f32 to vector<1x24576xf32>
    %mul3A_120 = arith.mulf %mul3A_119, %get3A_15 : vector<1x24576xf32>
    %div3A_121 = arith.divf %sub3A_117, %mul3A_120 : vector<1x24576xf32>
    %sub3A_122 = arith.subf %slice3A_87, %slice3A_85 : vector<1x24576xf32>
    %div3A_123 = arith.divf %sub3A_122, %get3A_12 : vector<1x24576xf32>
    %log3A = math.log %div3A_123 : vector<1x24576xf32>
    %div3A_124 = arith.constant 2.000000e-01 : f32
    %div3A_125 = vector.broadcast %div3A_124 : f32 to vector<1x24576xf32>
    %div3A_126 = arith.divf %log3A, %div3A_125 : vector<1x24576xf32>
    %sub3A_127 = arith.subf %slice3A_88, %slice3A_86 : vector<1x24576xf32>
    %div3A_128 = arith.divf %sub3A_127, %get3A_15 : vector<1x24576xf32>
    %log3A_129 = math.log %div3A_128 : vector<1x24576xf32>
    %div3A_130 = arith.constant 2.000000e-01 : f32
    %div3A_131 = vector.broadcast %div3A_130 : f32 to vector<1x24576xf32>
    %div3A_132 = arith.divf %log3A_129, %div3A_131 : vector<1x24576xf32>
    %gt3A = arith.constant 0 : i32
    %gt3A_133 = vector.broadcast %gt3A : i32 to vector<1x24576xi32>
    %gt3A_134 = arith.cmpi sgt, %select_n3A_98, %gt3A_133 : vector<1x24576xi32>
    %convert_element_type3A_135 = arith.extui %gt3A_134 : vector<1x24576xi1> to vector<1x24576xi32>
    %convert_element_type3A_136 = arith.sitofp %convert_element_type3A_135 : vector<1x24576xi32> to vector<1x24576xf32>
    %get3A_137 = arith.constant 0 : index
    %get3A_138 = arith.constant 0 : index
    %get3A_139 = arith.constant 0 : index
    %get3A_140 = vector.load %arg3[%get3A_137, %get3A_138, %get3A_139] : memref<1x4x24576xf32, #tpu.memory_space<vmem>>, vector<1x4x24576xf32>
    %get3A_141 = vector.shape_cast %get3A_140 : vector<1x4x24576xf32> to vector<4x24576xf32>
    %broadcast_in_dim3A_142 = arith.constant 0.000000e+00 : f32
    %broadcast_in_dim3A_143 = vector.broadcast %broadcast_in_dim3A_142 : f32 to vector<1x1xf32>
    %slice3A_144 = vector.extract_strided_slice %get3A_141 {offsets = [0, 0], sizes = [1, 24576], strides = [1, 1]} : vector<4x24576xf32> to vector<1x24576xf32>
    %sub3A_145 = arith.subf %slice3A_144, %div3A_112 : vector<1x24576xf32>
    %abs3A = math.absf %sub3A_145 : vector<1x24576xf32>
    %lt3A_146 = arith.constant 1.000000e+00 : f32
    %lt3A_147 = vector.broadcast %lt3A_146 : f32 to vector<1x24576xf32>
    %lt3A_148 = arith.cmpf olt, %abs3A, %lt3A_147 : vector<1x24576xf32>
    %mul3A_149 = arith.constant 5.000000e-01 : f32
    %mul3A_150 = vector.broadcast %mul3A_149 : f32 to vector<1x24576xf32>
    %mul3A_151 = arith.mulf %mul3A_150, %sub3A_145 : vector<1x24576xf32>
    %mul3A_152 = arith.mulf %mul3A_151, %sub3A_145 : vector<1x24576xf32>
    %sub3A_153 = arith.constant 5.000000e-01 : f32
    %sub3A_154 = vector.broadcast %sub3A_153 : f32 to vector<1x24576xf32>
    %sub3A_155 = arith.subf %abs3A, %sub3A_154 : vector<1x24576xf32>
    %select_n3A_156 = arith.select %lt3A_148, %mul3A_152, %sub3A_155 : vector<1x24576xi1>, vector<1x24576xf32>
    %mul3A_157 = arith.mulf %select_n3A_156, %convert_element_type3A_136 : vector<1x24576xf32>
    %reduce_sum3A = vector.shape_cast %mul3A_157 : vector<1x24576xf32> to vector<1x1x24576xf32>
    %reduce_sum3A_158 = arith.constant dense<0.000000e+00> : vector<1xf32>
    %reduce_sum3A_159 = vector.multi_reduction <add>, %reduce_sum3A, %reduce_sum3A_158 [1, 2] : vector<1x1x24576xf32> to vector<1xf32>
    %reduce_sum3A_160 = vector.shape_cast %reduce_sum3A_159 : vector<1xf32> to vector<1x1x1xf32>
    %reduce_sum3A_161 = vector.extract %reduce_sum3A_160[0, 0, 0] : f32 from vector<1x1x1xf32>
    %broadcast_in_dim3A_162 = vector.broadcast %reduce_sum3A_161 : f32 to vector<1x1xf32>
    %add3A_163 = arith.addf %broadcast_in_dim3A_143, %broadcast_in_dim3A_162 : vector<1x1xf32>
    %slice3A_164 = vector.extract_strided_slice %get3A_141 {offsets = [1, 0], sizes = [1, 24576], strides = [1, 1]} : vector<4x24576xf32> to vector<1x24576xf32>
    %sub3A_165 = arith.subf %slice3A_164, %div3A_121 : vector<1x24576xf32>
    %abs3A_166 = math.absf %sub3A_165 : vector<1x24576xf32>
    %lt3A_167 = arith.constant 1.000000e+00 : f32
    %lt3A_168 = vector.broadcast %lt3A_167 : f32 to vector<1x24576xf32>
    %lt3A_169 = arith.cmpf olt, %abs3A_166, %lt3A_168 : vector<1x24576xf32>
    %mul3A_170 = arith.constant 5.000000e-01 : f32
    %mul3A_171 = vector.broadcast %mul3A_170 : f32 to vector<1x24576xf32>
    %mul3A_172 = arith.mulf %mul3A_171, %sub3A_165 : vector<1x24576xf32>
    %mul3A_173 = arith.mulf %mul3A_172, %sub3A_165 : vector<1x24576xf32>
    %sub3A_174 = arith.constant 5.000000e-01 : f32
    %sub3A_175 = vector.broadcast %sub3A_174 : f32 to vector<1x24576xf32>
    %sub3A_176 = arith.subf %abs3A_166, %sub3A_175 : vector<1x24576xf32>
    %select_n3A_177 = arith.select %lt3A_169, %mul3A_173, %sub3A_176 : vector<1x24576xi1>, vector<1x24576xf32>
    %mul3A_178 = arith.mulf %select_n3A_177, %convert_element_type3A_136 : vector<1x24576xf32>
    %reduce_sum3A_179 = vector.shape_cast %mul3A_178 : vector<1x24576xf32> to vector<1x1x24576xf32>
    %reduce_sum3A_180 = arith.constant dense<0.000000e+00> : vector<1xf32>
    %reduce_sum3A_181 = vector.multi_reduction <add>, %reduce_sum3A_179, %reduce_sum3A_180 [1, 2] : vector<1x1x24576xf32> to vector<1xf32>
    %reduce_sum3A_182 = vector.shape_cast %reduce_sum3A_181 : vector<1xf32> to vector<1x1x1xf32>
    %reduce_sum3A_183 = vector.extract %reduce_sum3A_182[0, 0, 0] : f32 from vector<1x1x1xf32>
    %broadcast_in_dim3A_184 = vector.broadcast %reduce_sum3A_183 : f32 to vector<1x1xf32>
    %add3A_185 = arith.addf %add3A_163, %broadcast_in_dim3A_184 : vector<1x1xf32>
    %slice3A_186 = vector.extract_strided_slice %get3A_141 {offsets = [2, 0], sizes = [1, 24576], strides = [1, 1]} : vector<4x24576xf32> to vector<1x24576xf32>
    %sub3A_187 = arith.subf %slice3A_186, %div3A_126 : vector<1x24576xf32>
    %abs3A_188 = math.absf %sub3A_187 : vector<1x24576xf32>
    %lt3A_189 = arith.constant 1.000000e+00 : f32
    %lt3A_190 = vector.broadcast %lt3A_189 : f32 to vector<1x24576xf32>
    %lt3A_191 = arith.cmpf olt, %abs3A_188, %lt3A_190 : vector<1x24576xf32>
    %mul3A_192 = arith.constant 5.000000e-01 : f32
    %mul3A_193 = vector.broadcast %mul3A_192 : f32 to vector<1x24576xf32>
    %mul3A_194 = arith.mulf %mul3A_193, %sub3A_187 : vector<1x24576xf32>
    %mul3A_195 = arith.mulf %mul3A_194, %sub3A_187 : vector<1x24576xf32>
    %sub3A_196 = arith.constant 5.000000e-01 : f32
    %sub3A_197 = vector.broadcast %sub3A_196 : f32 to vector<1x24576xf32>
    %sub3A_198 = arith.subf %abs3A_188, %sub3A_197 : vector<1x24576xf32>
    %select_n3A_199 = arith.select %lt3A_191, %mul3A_195, %sub3A_198 : vector<1x24576xi1>, vector<1x24576xf32>
    %mul3A_200 = arith.mulf %select_n3A_199, %convert_element_type3A_136 : vector<1x24576xf32>
    %reduce_sum3A_201 = vector.shape_cast %mul3A_200 : vector<1x24576xf32> to vector<1x1x24576xf32>
    %reduce_sum3A_202 = arith.constant dense<0.000000e+00> : vector<1xf32>
    %reduce_sum3A_203 = vector.multi_reduction <add>, %reduce_sum3A_201, %reduce_sum3A_202 [1, 2] : vector<1x1x24576xf32> to vector<1xf32>
    %reduce_sum3A_204 = vector.shape_cast %reduce_sum3A_203 : vector<1xf32> to vector<1x1x1xf32>
    %reduce_sum3A_205 = vector.extract %reduce_sum3A_204[0, 0, 0] : f32 from vector<1x1x1xf32>
    %broadcast_in_dim3A_206 = vector.broadcast %reduce_sum3A_205 : f32 to vector<1x1xf32>
    %add3A_207 = arith.addf %add3A_185, %broadcast_in_dim3A_206 : vector<1x1xf32>
    %slice3A_208 = vector.extract_strided_slice %get3A_141 {offsets = [3, 0], sizes = [1, 24576], strides = [1, 1]} : vector<4x24576xf32> to vector<1x24576xf32>
    %sub3A_209 = arith.subf %slice3A_208, %div3A_132 : vector<1x24576xf32>
    %abs3A_210 = math.absf %sub3A_209 : vector<1x24576xf32>
    %lt3A_211 = arith.constant 1.000000e+00 : f32
    %lt3A_212 = vector.broadcast %lt3A_211 : f32 to vector<1x24576xf32>
    %lt3A_213 = arith.cmpf olt, %abs3A_210, %lt3A_212 : vector<1x24576xf32>
    %mul3A_214 = arith.constant 5.000000e-01 : f32
    %mul3A_215 = vector.broadcast %mul3A_214 : f32 to vector<1x24576xf32>
    %mul3A_216 = arith.mulf %mul3A_215, %sub3A_209 : vector<1x24576xf32>
    %mul3A_217 = arith.mulf %mul3A_216, %sub3A_209 : vector<1x24576xf32>
    %sub3A_218 = arith.constant 5.000000e-01 : f32
    %sub3A_219 = vector.broadcast %sub3A_218 : f32 to vector<1x24576xf32>
    %sub3A_220 = arith.subf %abs3A_210, %sub3A_219 : vector<1x24576xf32>
    %select_n3A_221 = arith.select %lt3A_213, %mul3A_217, %sub3A_220 : vector<1x24576xi1>, vector<1x24576xf32>
    %mul3A_222 = arith.mulf %select_n3A_221, %convert_element_type3A_136 : vector<1x24576xf32>
    %reduce_sum3A_223 = vector.shape_cast %mul3A_222 : vector<1x24576xf32> to vector<1x1x24576xf32>
    %reduce_sum3A_224 = arith.constant dense<0.000000e+00> : vector<1xf32>
    %reduce_sum3A_225 = vector.multi_reduction <add>, %reduce_sum3A_223, %reduce_sum3A_224 [1, 2] : vector<1x1x24576xf32> to vector<1xf32>
    %reduce_sum3A_226 = vector.shape_cast %reduce_sum3A_225 : vector<1xf32> to vector<1x1x1xf32>
    %reduce_sum3A_227 = vector.extract %reduce_sum3A_226[0, 0, 0] : f32 from vector<1x1x1xf32>
    %broadcast_in_dim3A_228 = vector.broadcast %reduce_sum3A_227 : f32 to vector<1x1xf32>
    %add3A_229 = arith.addf %add3A_207, %broadcast_in_dim3A_228 : vector<1x1xf32>
    %eq3A_230 = arith.constant 0 : i32
    %eq3A_231 = arith.cmpi eq, %arg0, %eq3A_230 : i32
    %convert_element_type3A_232 = arith.extui %eq3A_231 : i1 to i32
    %cond3A = arith.constant 0 : i32
    %cond3A_233 = arith.cmpi ne, %convert_element_type3A_232, %cond3A : i32
    scf.if %cond3A_233 {
      %broadcast_in_dim3A_241 = arith.constant 0.000000e+00 : f32
      %broadcast_in_dim3A_242 = vector.broadcast %broadcast_in_dim3A_241 : f32 to vector<1x1xf32>
      %swap3A_243 = arith.constant 0 : index
      %swap3A_244 = arith.constant 0 : index
      %swap3A_245 = vector.load %arg5[%swap3A_243, %swap3A_244] : memref<1x1xf32, #tpu.memory_space<vmem>>, vector<1x1xf32>
      tpu.vector_store %arg5[%swap3A_243, %swap3A_244], %broadcast_in_dim3A_242 {strides = array<i32>} : memref<1x1xf32, #tpu.memory_space<vmem>>, vector<1x1xf32>,
    } else {
    }
    %get3A_234 = arith.constant 0 : index
    %get3A_235 = arith.constant 0 : index
    %get3A_236 = vector.load %arg5[%get3A_234, %get3A_235] : memref<1x1xf32, #tpu.memory_space<vmem>>, vector<1x1xf32>
    %add3A_237 = arith.addf %get3A_236, %add3A_229 : vector<1x1xf32>
    %swap3A_238 = arith.constant 0 : index
    %swap3A_239 = arith.constant 0 : index
    %swap3A_240 = vector.load %arg5[%swap3A_238, %swap3A_239] : memref<1x1xf32, #tpu.memory_space<vmem>>, vector<1x1xf32>
    tpu.vector_store %arg5[%swap3A_238, %swap3A_239], %add3A_237 {strides = array<i32>} : memref<1x1xf32, #tpu.memory_space<vmem>>, vector<1x1xf32>,
    return
  }
  func.func @transform_0(%arg0: i32) -> (i32, i32, i32) {
    %c0_i32 = arith.constant 0 : i32
    %c0_i32_0 = arith.constant 0 : i32
    %c0_i32_1 = arith.constant 0 : i32
    return %arg0, %c0_i32, %c0_i32_0 : i32, i32, i32
  }
  func.func @transform_1(%arg0: i32) -> (i32, i32) {
    %c0_i32 = arith.constant 0 : i32
    %c0_i32_0 = arith.constant 0 : i32
    %c0_i32_1 = arith.constant 0 : i32
    return %c0_i32, %c0_i32_0 : i32, i32
  }
  func.func @transform_2(%arg0: i32) -> (i32, i32, i32) {
    %c0_i32 = arith.constant 0 : i32
    %c0_i32_0 = arith.constant 0 : i32
    %c0_i32_1 = arith.constant 0 : i32
    return %arg0, %c0_i32, %c0_i32_0 : i32, i32, i32
  }
  func.func @transform_3(%arg0: i32) -> (i32, i32, i32) {
    %c0_i32 = arith.constant 0 : i32
    %c0_i32_0 = arith.constant 0 : i32
    %c0_i32_1 = arith.constant 0 : i32
    return %arg0, %c0_i32, %c0_i32_0 : i32, i32, i32
  }
  func.func @transform_4(%arg0: i32) -> (i32, i32) {
    %c0_i32 = arith.constant 0 : i32
    %c0_i32_0 = arith.constant 0 : i32
    %c0_i32_1 = arith.constant 0 : i32
    return %c0_i32, %c0_i32_0 : i32, i32
  }
}

module attributes {stable_mosaic.version = 14 : i64} {
  func.func @_conf_loss_kernel3d(%arg0: i32, %arg1: memref<69x81x128xf32, #tpu.memory_space<vmem>>, %arg2: memref<69x1x128xi32, #tpu.memory_space<vmem>>, %arg3: memref<69x1x128xf32, #tpu.memory_space<vmem>>) attributes {dimension_semantics = [#tpu.dimension_semantics<arbitrary>], iteration_bounds = array<i64: 89>, scalar_prefetch = 0 : i64, scratch_operands = 0 : i64, tpu.core_type = #tpu.core_type<tc>, window_params = [{transform_indices = @transform_0, window_bounds = array<i64: 69, 81, 128>}, {transform_indices = @transform_1, window_bounds = array<i64: 69, 1, 128>}, {transform_indices = @transform_2, window_bounds = array<i64: 69, 1, 128>}]} {
    %get3A = arith.constant 0 : index
    %get3A_0 = arith.constant 0 : index
    %get3A_1 = arith.constant 0 : index
    %get3A_2 = vector.load %arg1[%get3A, %get3A_0, %get3A_1] : memref<69x81x128xf32, #tpu.memory_space<vmem>>, vector<69x81x128xf32>
    %exp3A = math.exp %get3A_2 : vector<69x81x128xf32>
    %reduce_sum3A = arith.constant dense<0.000000e+00> : vector<69x128xf32>
    %reduce_sum3A_3 = vector.multi_reduction <add>, %exp3A, %reduce_sum3A [1] : vector<69x81x128xf32> to vector<69x128xf32>
    %broadcast_in_dim3A = vector.shape_cast %reduce_sum3A_3 : vector<69x128xf32> to vector<69x1x128xf32>
    %log3A = math.log %broadcast_in_dim3A : vector<69x1x128xf32>
    %get3A_4 = arith.constant 0 : index
    %get3A_5 = arith.constant 0 : index
    %get3A_6 = arith.constant 0 : index
    %get3A_7 = vector.load %arg2[%get3A_4, %get3A_5, %get3A_6] : memref<69x1x128xi32, #tpu.memory_space<vmem>>, vector<69x1x128xi32>
    %iota3A = tpu.iota {dimensions = array<i32: 1>} : vector<1x81x1xi32>
    %eq3A = vector.broadcast %get3A_7 : vector<69x1x128xi32> to vector<69x81x128xi32>
    %eq3A_8 = vector.broadcast %iota3A : vector<1x81x1xi32> to vector<69x81x128xi32>
    %eq3A_9 = arith.cmpi eq, %eq3A, %eq3A_8 : vector<69x81x128xi32>
    %jit3A = arith.constant 0.000000e+00 : f32
    %broadcast_in_dim3A_10 = vector.broadcast %jit3A : f32 to vector<69x81x128xf32>
    %select_n3A = arith.select %eq3A_9, %get3A_2, %broadcast_in_dim3A_10 : vector<69x81x128xi1>, vector<69x81x128xf32>
    %reduce_sum3A_11 = arith.constant dense<0.000000e+00> : vector<69x128xf32>
    %reduce_sum3A_12 = vector.multi_reduction <add>, %select_n3A, %reduce_sum3A_11 [1] : vector<69x81x128xf32> to vector<69x128xf32>
    %broadcast_in_dim3A_13 = vector.shape_cast %reduce_sum3A_12 : vector<69x128xf32> to vector<69x1x128xf32>
    %sub3A = arith.subf %log3A, %broadcast_in_dim3A_13 : vector<69x1x128xf32>
    %swap3A = arith.constant 0 : index
    %swap3A_14 = arith.constant 0 : index
    %swap3A_15 = arith.constant 0 : index
    %swap3A_16 = vector.load %arg3[%swap3A, %swap3A_14, %swap3A_15] : memref<69x1x128xf32, #tpu.memory_space<vmem>>, vector<69x1x128xf32>
    tpu.vector_store %arg3[%swap3A, %swap3A_14, %swap3A_15], %sub3A {strides = array<i32>} : memref<69x1x128xf32, #tpu.memory_space<vmem>>, vector<69x1x128xf32>,
    return
  }
  func.func @transform_0(%arg0: i32) -> (i32, i32, i32) {
    %c0_i32 = arith.constant 0 : i32
    %c0_i32_0 = arith.constant 0 : i32
    %c0_i32_1 = arith.constant 0 : i32
    return %arg0, %c0_i32, %c0_i32_0 : i32, i32, i32
  }
  func.func @transform_1(%arg0: i32) -> (i32, i32, i32) {
    %c0_i32 = arith.constant 0 : i32
    %c0_i32_0 = arith.constant 0 : i32
    %c0_i32_1 = arith.constant 0 : i32
    return %arg0, %c0_i32, %c0_i32_0 : i32, i32, i32
  }
  func.func @transform_2(%arg0: i32) -> (i32, i32, i32) {
    %c0_i32 = arith.constant 0 : i32
    %c0_i32_0 = arith.constant 0 : i32
    %c0_i32_1 = arith.constant 0 : i32
    return %arg0, %c0_i32, %c0_i32_0 : i32, i32, i32
  }
}

module attributes {stable_mosaic.version = 14 : i64} {
  func.func @_mining_kernel(%arg0: i32, %arg1: memref<32x24576xf32, #tpu.memory_space<vmem>>, %arg2: memref<32x24576xi32, #tpu.memory_space<vmem>>, %arg3: memref<1x1xf32, #tpu.memory_space<vmem>>, %arg4: memref<1x1xf32, #tpu.memory_space<vmem>>) attributes {dimension_semantics = [#tpu.dimension_semantics<arbitrary>], iteration_bounds = array<i64: 1>, scalar_prefetch = 0 : i64, scratch_operands = 0 : i64, tpu.core_type = #tpu.core_type<tc>, window_params = [{pipeline_mode = #tpu.pipeline_mode<synchronous>, transform_indices = @transform_0, window_bounds = array<i64: 32, 24576>}, {pipeline_mode = #tpu.pipeline_mode<synchronous>, transform_indices = @transform_1, window_bounds = array<i64: 32, 24576>}, {pipeline_mode = #tpu.pipeline_mode<synchronous>, transform_indices = @transform_2, window_bounds = array<i64: 1, 1>}, {pipeline_mode = #tpu.pipeline_mode<synchronous>, transform_indices = @transform_3, window_bounds = array<i64: 1, 1>}]} {
    %get3A = arith.constant 0 : index
    %get3A_0 = arith.constant 0 : index
    %get3A_1 = vector.load %arg1[%get3A, %get3A_0] : memref<32x24576xf32, #tpu.memory_space<vmem>>, vector<32x24576xf32>
    %get3A_2 = arith.constant 0 : index
    %get3A_3 = arith.constant 0 : index
    %get3A_4 = vector.load %arg2[%get3A_2, %get3A_3] : memref<32x24576xi32, #tpu.memory_space<vmem>>, vector<32x24576xi32>
    %gt3A = arith.constant 0 : i32
    %gt3A_5 = vector.broadcast %gt3A : i32 to vector<32x24576xi32>
    %gt3A_6 = arith.cmpi sgt, %get3A_4, %gt3A_5 : vector<32x24576xi32>
    %convert_element_type3A = arith.extui %gt3A_6 : vector<32x24576xi1> to vector<32x24576xi32>
    %reduce_sum3A = arith.constant dense<0> : vector<32xi32>
    %reduce_sum3A_7 = vector.multi_reduction <add>, %convert_element_type3A, %reduce_sum3A [1] : vector<32x24576xi32> to vector<32xi32>
    %broadcast_in_dim3A = vector.shape_cast %reduce_sum3A_7 : vector<32xi32> to vector<32x1xi32>
    %jit3A = arith.constant 0.000000e+00 : f32
    %broadcast_in_dim3A_8 = vector.broadcast %jit3A : f32 to vector<32x24576xf32>
    %select_n3A = arith.select %gt3A_6, %broadcast_in_dim3A_8, %get3A_1 : vector<32x24576xi1>, vector<32x24576xf32>
    %bitcast_convert_type3A = tpu.bitcast %select_n3A : vector<32x24576xf32> -> vector<32x24576xi32>
    %mul3A = arith.constant 3 : i32
    %mul3A_9 = vector.broadcast %mul3A : i32 to vector<32x1xi32>
    %mul3A_10 = arith.muli %mul3A_9, %broadcast_in_dim3A : vector<32x1xi32>
    %min3A = arith.constant 24563 : i32
    %min3A_11 = vector.broadcast %min3A : i32 to vector<32x1xi32>
    %min3A_12 = arith.minsi %mul3A_10, %min3A_11 : vector<32x1xi32>
    %broadcast_in_dim3A_13 = arith.constant 0 : i32
    %broadcast_in_dim3A_14 = vector.broadcast %broadcast_in_dim3A_13 : i32 to vector<32x1xi32>
    %scan3A = arith.constant 0 : i32
    %scan3A_15 = arith.constant 31 : i32
    %scan3A_16 = arith.addi %scan3A, %scan3A_15 : i32
    %scan3A_17 = arith.constant 1 : i32
    %scan3A_18 = scf.for %scan3A_66 = %scan3A to %scan3A_16 step %scan3A_17 iter_args(%scan3A_67 = %broadcast_in_dim3A_14) -> (vector<32x1xi32>)  : i32 {
      %sub3A_68 = arith.constant 30 : i32
      %sub3A_69 = arith.subi %sub3A_68, %scan3A_66 : i32
      %shift_left3A = arith.constant 1 : i32
      %shift_left3A_70 = arith.shli %shift_left3A, %sub3A_69 : i32
      %or3A = vector.broadcast %shift_left3A_70 : i32 to vector<32x1xi32>
      %or3A_71 = arith.ori %scan3A_67, %or3A : vector<32x1xi32>
      %ge3A = vector.broadcast %or3A_71 : vector<32x1xi32> to vector<32x24576xi32>
      %ge3A_72 = arith.cmpi sge, %bitcast_convert_type3A, %ge3A : vector<32x24576xi32>
      %convert_element_type3A_73 = arith.extui %ge3A_72 : vector<32x24576xi1> to vector<32x24576xi32>
      %reduce_sum3A_74 = arith.constant dense<0> : vector<32xi32>
      %reduce_sum3A_75 = vector.multi_reduction <add>, %convert_element_type3A_73, %reduce_sum3A_74 [1] : vector<32x24576xi32> to vector<32xi32>
      %broadcast_in_dim3A_76 = vector.shape_cast %reduce_sum3A_75 : vector<32xi32> to vector<32x1xi32>
      %ge3A_77 = arith.cmpi sge, %broadcast_in_dim3A_76, %min3A_12 : vector<32x1xi32>
      %select_n3A_78 = arith.select %ge3A_77, %or3A_71, %scan3A_67 : vector<32x1xi1>, vector<32x1xi32>
      scf.yield %select_n3A_78 : vector<32x1xi32>
    }
    %scan3A_19 = arith.constant 31 : i32
    %bitcast_convert_type3A_20 = tpu.bitcast %scan3A_18 : vector<32x1xi32> -> vector<32x1xf32>
    %gt3A_21 = vector.broadcast %scan3A_18 : vector<32x1xi32> to vector<32x24576xi32>
    %gt3A_22 = arith.cmpi sgt, %bitcast_convert_type3A, %gt3A_21 : vector<32x24576xi32>
    %convert_element_type3A_23 = arith.extui %gt3A_22 : vector<32x24576xi1> to vector<32x24576xi32>
    %reduce_sum3A_24 = arith.constant dense<0> : vector<32xi32>
    %reduce_sum3A_25 = vector.multi_reduction <add>, %convert_element_type3A_23, %reduce_sum3A_24 [1] : vector<32x24576xi32> to vector<32xi32>
    %broadcast_in_dim3A_26 = vector.shape_cast %reduce_sum3A_25 : vector<32xi32> to vector<32x1xi32>
    %jit3A_27 = arith.constant 0.000000e+00 : f32
    %broadcast_in_dim3A_28 = vector.broadcast %jit3A_27 : f32 to vector<32x24576xf32>
    %select_n3A_29 = arith.select %gt3A_22, %select_n3A, %broadcast_in_dim3A_28 : vector<32x24576xi1>, vector<32x24576xf32>
    %reduce_sum3A_30 = arith.constant dense<0.000000e+00> : vector<32xf32>
    %reduce_sum3A_31 = vector.multi_reduction <add>, %select_n3A_29, %reduce_sum3A_30 [1] : vector<32x24576xf32> to vector<32xf32>
    %broadcast_in_dim3A_32 = vector.shape_cast %reduce_sum3A_31 : vector<32xf32> to vector<32x1xf32>
    %sub3A = arith.subi %min3A_12, %broadcast_in_dim3A_26 : vector<32x1xi32>
    %convert_element_type3A_33 = arith.sitofp %sub3A : vector<32x1xi32> to vector<32x1xf32>
    %mul3A_34 = arith.mulf %convert_element_type3A_33, %bitcast_convert_type3A_20 : vector<32x1xf32>
    %add3A = arith.addf %broadcast_in_dim3A_32, %mul3A_34 : vector<32x1xf32>
    %gt3A_35 = arith.constant 0 : i32
    %gt3A_36 = vector.broadcast %gt3A_35 : i32 to vector<32x1xi32>
    %gt3A_37 = arith.cmpi sgt, %min3A_12, %gt3A_36 : vector<32x1xi32>
    %jit3A_38 = arith.constant 0.000000e+00 : f32
    %broadcast_in_dim3A_39 = vector.broadcast %jit3A_38 : f32 to vector<32x1xf32>
    %select_n3A_40 = arith.select %gt3A_37, %add3A, %broadcast_in_dim3A_39 : vector<32x1xi1>, vector<32x1xf32>
    %jit3A_41 = arith.constant 0.000000e+00 : f32
    %broadcast_in_dim3A_42 = vector.broadcast %jit3A_41 : f32 to vector<32x24576xf32>
    %select_n3A_43 = arith.select %gt3A_6, %get3A_1, %broadcast_in_dim3A_42 : vector<32x24576xi1>, vector<32x24576xf32>
    %reduce_sum3A_44 = arith.constant dense<0.000000e+00> : vector<32xf32>
    %reduce_sum3A_45 = vector.multi_reduction <add>, %select_n3A_43, %reduce_sum3A_44 [1] : vector<32x24576xf32> to vector<32xf32>
    %broadcast_in_dim3A_46 = vector.shape_cast %reduce_sum3A_45 : vector<32xf32> to vector<32x1xf32>
    %add3A_47 = arith.addf %broadcast_in_dim3A_46, %select_n3A_40 : vector<32x1xf32>
    %reduce_sum3A_48 = vector.shape_cast %add3A_47 : vector<32x1xf32> to vector<1x32x1xf32>
    %reduce_sum3A_49 = arith.constant dense<0.000000e+00> : vector<1xf32>
    %reduce_sum3A_50 = vector.multi_reduction <add>, %reduce_sum3A_48, %reduce_sum3A_49 [1, 2] : vector<1x32x1xf32> to vector<1xf32>
    %reduce_sum3A_51 = vector.shape_cast %reduce_sum3A_50 : vector<1xf32> to vector<1x1x1xf32>
    %reduce_sum3A_52 = vector.extract %reduce_sum3A_51[0, 0, 0] : f32 from vector<1x1x1xf32>
    %broadcast_in_dim3A_53 = vector.broadcast %reduce_sum3A_52 : f32 to vector<1x1xf32>
    %swap3A = arith.constant 0 : index
    %swap3A_54 = arith.constant 0 : index
    %swap3A_55 = vector.load %arg3[%swap3A, %swap3A_54] : memref<1x1xf32, #tpu.memory_space<vmem>>, vector<1x1xf32>
    tpu.vector_store %arg3[%swap3A, %swap3A_54], %broadcast_in_dim3A_53 {strides = array<i32>} : memref<1x1xf32, #tpu.memory_space<vmem>>, vector<1x1xf32>,
    %convert_element_type3A_56 = arith.sitofp %broadcast_in_dim3A : vector<32x1xi32> to vector<32x1xf32>
    %reduce_sum3A_57 = vector.shape_cast %convert_element_type3A_56 : vector<32x1xf32> to vector<1x32x1xf32>
    %reduce_sum3A_58 = arith.constant dense<0.000000e+00> : vector<1xf32>
    %reduce_sum3A_59 = vector.multi_reduction <add>, %reduce_sum3A_57, %reduce_sum3A_58 [1, 2] : vector<1x32x1xf32> to vector<1xf32>
    %reduce_sum3A_60 = vector.shape_cast %reduce_sum3A_59 : vector<1xf32> to vector<1x1x1xf32>
    %reduce_sum3A_61 = vector.extract %reduce_sum3A_60[0, 0, 0] : f32 from vector<1x1x1xf32>
    %broadcast_in_dim3A_62 = vector.broadcast %reduce_sum3A_61 : f32 to vector<1x1xf32>
    %swap3A_63 = arith.constant 0 : index
    %swap3A_64 = arith.constant 0 : index
    %swap3A_65 = vector.load %arg4[%swap3A_63, %swap3A_64] : memref<1x1xf32, #tpu.memory_space<vmem>>, vector<1x1xf32>
    tpu.vector_store %arg4[%swap3A_63, %swap3A_64], %broadcast_in_dim3A_62 {strides = array<i32>} : memref<1x1xf32, #tpu.memory_space<vmem>>, vector<1x1xf32>,
    return
  }
  func.func @transform_0(%arg0: i32) -> (i32, i32) {
    %c0_i32 = arith.constant 0 : i32
    %c0_i32_0 = arith.constant 0 : i32
    %c0_i32_1 = arith.constant 0 : i32
    return %c0_i32, %c0_i32_0 : i32, i32
  }
  func.func @transform_1(%arg0: i32) -> (i32, i32) {
    %c0_i32 = arith.constant 0 : i32
    %c0_i32_0 = arith.constant 0 : i32
    %c0_i32_1 = arith.constant 0 : i32
    return %c0_i32, %c0_i32_0 : i32, i32
  }
  func.func @transform_2(%arg0: i32) -> (i32, i32) {
    %c0_i32 = arith.constant 0 : i32
    %c0_i32_0 = arith.constant 0 : i32
    %c0_i32_1 = arith.constant 0 : i32
    return %c0_i32, %c0_i32_0 : i32, i32
  }
  func.func @transform_3(%arg0: i32) -> (i32, i32) {
    %c0_i32 = arith.constant 0 : i32
    %c0_i32_0 = arith.constant 0 : i32
    %c0_i32_1 = arith.constant 0 : i32
    return %c0_i32, %c0_i32_0 : i32, i32
  }
}

</mosaic_0001>

<sc_bundles>
// kernel: sparse-core-data-format-call.cloned.1.call-start
scs
called_computation_lowered:
.L_overlay_start_0:
0x0: {  	s1 =	sld [smem:$0x3FD9]  }
0x1: {  	s2 =	sld [smem:$0x3FFE];
	_ =	sdelay $0x1  }
0x2: {  	s3 =	srdreg.scid  }
0x3: {  	s0 =	sand.u32 $0x1, s3  }
0x4: {  	s17 =	sshll.u32 s0, $0xA;
	s1 =	sadd.s32 s2, s1  }
0x5: {  	s1 =	sadd.s32 s1, s17  }
0x6: {  	[smem:$0x3FC4] =	sst s1  }
0x7: {  	_ = 	snop  }
0x8: {  	(tm) =	ssettm $0x1  }
0x9: {  	s18 =	sld [smem:$0x3FFB];
	_ =	sdelay $0x3  }
0xa: {  	_ =	strace s18  }
0xb: {  	s1 =	sld [smem:$0x3FFC];
	_ =	sdelay $0x3  }
0xc: {  	_ =	strace s1  }
0xd: {  	s1 =	sld [smem:$0x3FFD];
	_ =	sdelay $0x3  }
0xe: {  	_ =	strace s1  }
0xf: {  	_ =	strace $0x8FFFFFFF  }
0x10: {  	s19 =	sld [smem:$0x3FDB];
	_ =	sdelay $0x1  }
0x11: {  	s20 =	simm.s32 $_scs_section_size  }
0x12: {  	s4 =	simm.s32 $_size__tile_overlayer_lowered;
	s5 =	simm.s32 $_tile_overlayer_lowered  }
0x13: {  	s23 =	simm.s32 $0x1BFF;
	s22 =	sshll.u32 s5, $0x1;
	s1 =	sadd.s32 s20, s19  }
0x14: {  	s6 =	simm.s32 $0x0;
	s21 =	sshll.u32 s4, $0x1;
	s4 =	sadd.s32 s22, s1  }
0x15: {  	[timem:s6], [sflag:s23] =	dma.local [hbm:s4], s21  }
0x16: {  	_ =	swait.ge [sflag:s23], s21  }
0x17: {  	s2 =	ssub.s32 $0x0, s21;
	[sflag:s23] =	ssyncset.done $0x0  }
0x18: {  	[sflag:s23] =	ssyncadd.s32 s2;
	_ =	sdelay $0x1  }
0x19: {  	s24 =	simm.s32 $0x1B8B  }
0x1a: {  	_ =	swait.ge [sflag:s24], $0x1  }
0x1b: {  	[sflag:s24] =	ssyncset.done $0x0  }
0x1c: {  	s26 =	simm.s32 $0x1B8E;
	s25 =	sld [smem:$0x3FFE];
	[sflag:s24] =	ssyncadd.s32 $0xFFFFFFFF  }
0x1d: {  	s27 =	simm.s32 $execute0_lowered;
	[smem:$0x3FD2] =	sst s26  }
0x1e: {  	s4 =	sshll.u32 s27, $0x1;
	_ =	strace $0x80000046;
	[dreg:$0x1] =	wrdreg $0xFFFFFFFF  }
0x1f: {  	s28 =	simm.s32 $_size_execute0_lowered;
	s1 =	sadd.s32 s1, s4;
	[dreg:$0x0] =	wrdreg $0x0  }
0x20: {  	s4 =	sshll.u32 s28, $0x1;
	[dreg:$0x2] =	wrdreg s1  }
0x21: {  	[dreg:$0x3] =	wrdreg s4  }
0x22: {  	[dreg:$0x4] =	wrdreg $0xC0  }
0x23: {  	_ =	task [dreg:s6], $0x5FFFF  }
0x24: {  	[dreg:$0x1] =	wrdreg $0xFFFFFFFF  }
0x25: {  	[dreg:$0x0] =	wrdreg $0x60  }
0x26: {  	[dreg:$0x2] =	wrdreg s25  }
0x27: {  	[dreg:$0x3] =	wrdreg $0x9  }
0x28: {  	_ =	task.clear_ibuf [dreg:s6], $0x4FFFF;
	_ =	strace $0x90000046  }
0x29: {  	s29 =	simm.s32 $0x9;
	_ =	strace $0x80000048  }
0x2a: {  	_ =	swait.ge [sflag:s29], $0x1  }
0x2b: {  	[sflag:s29] =	ssyncadd.s32 $0xFFFFFFFF  }
0x2c: {  	_ =	strace $0x90000048  }
0x2d: {  	_ =	sfence  }
0x2e: {  	s30 =	sld [smem:$0x0];
	_ =	sdelay $0x2  }
0x2f: {  	s31 =	sshll.u32 s3, $0xD;
	s3 =	sshrl.u32 s3, $0x2  }
0x30: {  	s2 =	sand.u32 $0x4000, s31;
	s1 =	sadd.s32 s3, s30  }
0x31: {  	s0 =	sor.u32 s2, s0;
	s1 =	sshll.u32 s1, $0x11  }
0x32: {  	s0 =	sor.u32 s1, s0  }
0x33: {  	s0 =	sadd.s32 $0x8F2B, s0  }
0x34: {  	[sflag:s0] =	ssyncadd.remote.s32 $0x1  }
0x35: {  	_ =	sfence.sel $0xFFFF  }
0x36: {  	[dreg:$0x0] =	wrdreg $0xFFFFFFFF;
	(pc) =	sbr.abs _section_cstart, $3  }
0x37: {  	[dreg:$0x1] =	wrdreg $0xFFFFFFFF  }
0x38: {  	_ =	task.clear_ibuf [dreg:s6], $0x2FFFF;
	_ =	strace $0x9FFFFFFF  }
0x39: {  	(tm) =	ssettm $0x7FFFFFFF  }
tec
execute0_lowered:
.L_overlay_start_1:
0x0: {  	(tag) =	ssettag $0x1  }
0x1: {  	s0 =	srdreg.scid;
	s6 =	rddreg [dreg:$0x0]  }
0x2: {  	s7 =	simm.s32 $0x2;
	s17 =	simm.s32 $0x0;
	s8 =	simm.s32 $0x80  }
0x3: {  	s9 =	simm.s32 $0x2C00;
	s10 =	simm.s32 $0x0;
	s1 =	sshll.u32 s0, $0x4  }
0x4: {  	s16 =	simm.s32 $0x0;
	s0 =	stileid.u32;
	s1 =	sand.u32 $0x10, s1  }
0x5: {  	s11 =	simm.s32 $0x0;
	s12 =	simm.s32 $0x0;
	s2 =	sor.u32 s0, s1  }
.Ltmp0:
0x6: {  	s13 =	simm.s32 $0x0;
	s3 =	ssub.s32 $0x70, s2;
	(pc) =	sbr.rel .LBB1_1-.Ltmp0, $4  }
0x7: {  	s15 =	simm.s32 $0x0;
	s1 =	rddreg [dreg:$0x1];
	s4 =	sshrl.u32 s3, $0x5  }
0x8: {  	_ =	strace $0x80000047;
	s3 =	simm.s32 $0x1;
	s4 =	smul.u32 $0x30, s4  }
0x9: {  	s5 =	sadd.s32 $0x400, s6;
	s6 =	sadd.s32 $0x798400, s6;
	[sflag:s3] =	ssyncpa.u1 $0x0  }
0xa: {  	s14 =	smov.u32 s2;
	[sflag:s7] =	ssyncpa.u1 $0x0;
	s7 =	sor.u32 $0x1, s4  }
.LBB1_4:
0xb: {  	_ =	sdelay $0x3  }
0xc: {  	[tilespmem:v0+s20+$0xFFFFFFA0 ss:$0x1] =	vst.idx.msk $0xffff, v7  }
0xd: {  	v56 =	vld.idx.msk [tilespmem:v1+s19+$0x30 ss:$0x1], $0xffff;
	[tilespmem:v0+s20+$0xFFFFFFB0 ss:$0x1] =	vst.idx.msk $0xffff, v6  }
0xe: {  	v57 =	vld.idx.msk [tilespmem:v1+s19+$0xFFFFFFC0 ss:$0x1], $0xffff;
	[tilespmem:v0+s20+$0xFFFFFFC0 ss:$0x1] =	vst.idx.msk $0xffff, v4;
	s21 =	sand.u32 $0x1FFFFFF, s12;
	p0 =	sgt.s32 s11, $0x177D;
	s22 =	smov.u32 s11  }
0xf: {  	v58 =	vld.idx.msk [tilespmem:v1+s19+$0xFFFFFFD0 ss:$0x1], $0xffff;
	[tilespmem:v0+s20+$0xFFFFFFD0 ss:$0x1] =	vst.idx.msk $0xffff, v3;
	s24 =	sshra.s32 s11, $0x1F;
	s25 =	smov.u32 s12;
	s26 =	sshra.s32 s12, $0x1F  }
0x10: {  	v59 =	vld.idx.msk [tilespmem:v1+s19+$0xFFFFFFE0 ss:$0x1], $0xffff;
	[tilespmem:v0+s20+$0xFFFFFFE0 ss:$0x1] =	vst.idx.msk $0xffff, v2;
	s23 =	smulhi.u32 $0x2E8BA2F, s21;
	s22 =	simm.s32 @!p0 $0x177D;
	p0 =	sgt.s32 s12, $0x57  }
0x11: {  	[tilespmem:v0+s20+$0xFFFFFFF0 ss:$0x1] =	vst.idx.msk $0xffff, v5;
	v60 =	vld.idx.msk [tilespmem:v1+s19+$0xFFFFFFF0 ss:$0x1], $0xffff;
	s30 =	sand.u32 s24, s11;
	s31 =	sand.u32 s26, s12;
	s25 =	simm.s32 @!p0 $0x57  }
0x12: {  	v61 =	vld.idx.msk [tilespmem:v1+s19+$0x0 ss:$0x1], $0xffff;
	s20 =	ssub.s32 s22, s30;
	s25 =	ssub.s32 s25, s31;
	[tilespmem:v0+s19+$0x0 ss:$0x1] =	vst.idx.msk $0xffff, v56  }
0x13: {  	v62 =	vld.idx.msk [tilespmem:v1+s19+$0x10 ss:$0x1], $0xffff;
	s23 =	smul.u32 $0x58, s23;
	s26 =	sadd.s32 $0xFFFFE883, s20;
	s22 =	sadd.s32 $0xFFFFFFA9, s25;
	[tilespmem:v0+s19+$0xFFFFFF90 ss:$0x1] =	vst.idx.msk $0xffff, v57  }
0x14: {  	v63 =	vld.idx.msk [tilespmem:v1+s19+$0x20 ss:$0x1], $0xffff;
	s20 =	ssub.s32 $0x17FD, s20;
	p0 =	sgt.s32 s26, $0x7F;
	[tilespmem:v0+s19+$0xFFFFFFA0 ss:$0x1] =	vst.idx.msk $0xffff, v58;
	s27 =	sshll.u32 s22, $0x7  }
0x15: {  	[tilespmem:v0+s19+$0xFFFFFFB0 ss:$0x1] =	vst.idx.msk $0xffff, v59;
	s20 =	simm.s32 @p0 $0x0;
	p0 =	sgt.s32 s22, $0x0;
	s22 =	ssub.s32 $0x80, s27  }
0x16: {  	s28 =	smul.u32 $0x580, s11;
	[tilespmem:v0+s19+$0xFFFFFFC0 ss:$0x1] =	vst.idx.msk $0xffff, v60;
	s22 =	simm.s32 @p0 $0x0  }
0x17: {  	s21 =	ssub.s32 s21, s23;
	[tilespmem:v0+s19+$0xFFFFFFD0 ss:$0x1] =	vst.idx.msk $0xffff, v61;
	s20 =	smul.u32 s20, s22  }
0x18: {  	s29 =	sadd.s32 s6, s28;
	[tilespmem:v0+s19+$0xFFFFFFE0 ss:$0x1] =	vst.idx.msk $0xffff, v62;
	s21 =	sshll.u32 s21, $0x4  }
0x19: {  	[tilespmem:v0+s19+$0xFFFFFFF0 ss:$0x1] =	vst.idx.msk $0xffff, v63;
	s31 =	sadd.s32 s21, s29;
	s30 =	sand.u32 $0x3FFFFF80, s20  }
0x1a: {  	[hbm4b:s31+s8] =	stream.strided.scatter [tilespmem:s18], [sflag:$0x2], s30, s9, s8, $0x38;
	[tilespmem:$0x10000] =	vst v63  }
.LBB1_5:
0x1b: {  	p0 =	slt.u32 s15, $0x2  }
0x1c: {  	p1 =	sgt.s32 @!p0 s17, $0x177D  }
0x1d: {  	s18 =	smov.u32 s17;
	s19 =	sshra.s32 @!p0 s17, $0x1F;
	p1 =	por !p1, p0  }
0x1e: {  	s20 =	sshra.s32 @!p0 s16, $0x1F;
	s18 =	simm.s32 @p1 $0x177D;
	p1 =	sgt.s32 @!p0 s16, $0x57  }
0x1f: {  	s17 =	sand.u32 @!p0 s19, s17;
	s19 =	smov.u32 s16;
	p1 =	por !p1, p0  }
0x20: {  	s16 =	sand.u32 @!p0 s20, s16;
	s19 =	simm.s32 @p1 $0x57  }
0x21: {  	s20 =	smov.u32 s14;
	s17 =	ssub.s32 @!p0 s18, s17;
	s16 =	ssub.s32 @!p0 s19, s16  }
0x22: {  	s18 =	sadd.s32 @!p0 $0xFFFFE883, s17;
	s17 =	ssub.s32 @!p0 $0x17FD, s17;
	s16 =	sadd.s32 @!p0 $0xFFFFFFA9, s16  }
0x23: {  	p1 =	sgt.s32 @!p0 s18, $0x7F;
	p2 =	sgt.s32 @!p0 s16, $0x0;
	s16 =	sshll.u32 @!p0 s16, $0x7  }
0x24: {  	p1 =	por !p1, p0;
	s16 =	ssub.s32 @!p0 $0x80, s16;
	p2 =	por !p2, p0  }
0x25: {  	s18 =	sadd.s32 $0x80, s13;
	s17 =	simm.s32 @!p1 $0x0;
	s16 =	simm.s32 @!p2 $0x0  }
0x26: {  	p1 =	sgt.s32 s18, $0x17FC;
	s16 =	smul.u32 @!p0 s17, s16;
	s17 =	sadd.s32 $0x20, s14  }
0x27: {  	s20 =	smov.u32 @p1 s17  }
0x28: {  	s18 =	simm.s32 @p1 $0x0;
	p1 =	sgt.s32 s20, $0x50  }
0x29: {  	s20 =	smov.u32 @p1 s2;
	p1 =	sne.s32 s15, s7  }
.Ltmp1:
0x2a: {  	s10 =	sadd.s32 $0x4000, s10;
	s19 =	simm.s32 @!p0 $0x2;
	(pc) =	sbr.rel @!p1 .LBB1_6-.Ltmp1, $4  }
0x2b: {  	s17 =	smov.u32 s11;
	s11 =	smov.u32 s13;
	s16 =	sand.u32 @!p0 $0x3FFFFF80, s16  }
0x2c: {  	s13 =	smov.u32 s18;
	_ =	swait.ge @!p0 [sflag:s19], s16;
	s21 =	ssub.s32 @!p0 $0x0, s16  }
0x2d: {  	s16 =	smov.u32 s12;
	s15 =	sadd.s32 $0x1, s15;
	[sflag:s19] =	ssyncset.done @!p0 $0x0  }
0x2e: {  	s12 =	smov.u32 s14;
	s14 =	smov.u32 s20;
	[sflag:s19] =	ssyncadd.s32 @!p0 s21  }
.LBB1_1:
0x2f: {  	p0 =	sge.u32 s15, s4  }
0x30: {  	s18 =	sand.u32 @!p0 $0x1FFFFFF, s13  }
0x31: {  	s19 =	smulhi.u32 @!p0 $0xAAAAAB, s18;
	_ =	sdelay $0x1  }
0x32: {  	s19 =	sshrl.u32 @!p0 s19, $0x4  }
0x33: {  	s19 =	smul.u32 @!p0 $0x1800, s19  }
0x34: {  	s20 =	smul.u32 @!p0 $0x18000, s14  }
0x35: {  	s31 =	sadd.s32 $0xFFFFFFFF, s15;
	s18 =	ssub.s32 @!p0 s18, s19;
	s19 =	sxor.u32 @!p0 $0xFFFFFFFF, s15  }
0x36: {  	s20 =	sadd.s32 @!p0 s5, s20;
	s19 =	sshll.u32 @!p0 s19, $0xE;
	s18 =	sshll.u32 @!p0 s18, $0x4  }
0x37: {  	s19 =	sand.u32 @!p0 $0x4000, s19;
	s18 =	sadd.s32 @!p0 s18, s20;
	s20 =	simm.s32 @!p0 $0x0  }
0x38: {  	[tilespmem:s19], [sflag:$0x1] =	stream.linear.gather @!p0 [hbm4b:s18+s20], $0x4000, $0x38;
	[tilespmem:$0x10000] =	vst v63  }
0x39: {  	p0 =	sge.u32 s31, s4  }
.Ltmp2:
0x3a: {  	_ = 	snop;
	(pc) =	sbr.rel @p0 .LBB1_5-.Ltmp2, $1  }
0x3b: {  	_ =	sdelay $0x3  }
0x3c: {  	s18 =	sand.u32 $0x4000, s10  }
0x3d: {  	s19 =	sor.u32 $0x40, s18  }
0x3e: {  	v1 =	vmov s19;
	_ =	sdelay $0x1  }
0x3f: {  	_ =	swait.ge [sflag:s3], $0x4000  }
0x40: {  	[sflag:s3] =	ssyncset.done $0x0  }
0x41: {  	s20 =	simm.s32 $0x0;
	[sflag:s3] =	ssyncadd.s32 $0xFFFFC000  }
0x42: {  	s18 =	sor.u32 $0x8070, s18;
	v5 =	vld.idx.msk [tilespmem:v1+s20+$0x30 ss:$0x1], $0xffff  }
0x43: {  	v0 =	vmov s18;
	v8 =	vld.idx.msk [tilespmem:v1+s20+$0xFFFFFFC0 ss:$0x1], $0xffff  }
0x44: {  	v7 =	vld.idx.msk [tilespmem:v1+s20+$0xFFFFFFD0 ss:$0x1], $0xffff  }
0x45: {  	v6 =	vld.idx.msk [tilespmem:v1+s20+$0xFFFFFFE0 ss:$0x1], $0xffff  }
0x46: {  	v4 =	vld.idx.msk [tilespmem:v1+s20+$0xFFFFFFF0 ss:$0x1], $0xffff  }
0x47: {  	s31 =	sshll.u32 s15, $0xE;
	v3 =	vld.idx.msk [tilespmem:v1+s20+$0x0 ss:$0x1], $0xffff  }
0x48: {  	s18 =	sand.u32 $0x4000, s31;
	v2 =	vld.idx.msk [tilespmem:v1+s20+$0x10 ss:$0x1], $0xffff;
	[tilespmem:v0+s20+$0x0 ss:$0x1] =	vst.idx.msk $0xffff, v5  }
0x49: {  	s21 =	simm.s32 $0x400;
	s19 =	simm.s32 $0x80;
	s18 =	sor.u32 $0x8000, s18;
	[tilespmem:v0+s20+$0xFFFFFF90 ss:$0x1] =	vst.idx.msk $0xffff, v8;
	v5 =	vld.idx.msk [tilespmem:v1+s20+$0x20 ss:$0x1], $0xffff  }
.LBB1_3:
0x4a: {  	p0 =	sne.s32 s21, $0xFE00;
	v8 =	vld.idx.msk [tilespmem:v1+s19+$0x30 ss:$0x1], $0xffff;
	[tilespmem:v0+s20+$0xFFFFFFA0 ss:$0x1] =	vst.idx.msk $0xffff, v7  }
0x4b: {  	v9 =	vld.idx.msk [tilespmem:v1+s19+$0xFFFFFFC0 ss:$0x1], $0xffff;
	[tilespmem:v0+s20+$0xFFFFFFB0 ss:$0x1] =	vst.idx.msk $0xffff, v6  }
0x4c: {  	v7 =	vld.idx.msk [tilespmem:v1+s19+$0xFFFFFFD0 ss:$0x1], $0xffff;
	[tilespmem:v0+s20+$0xFFFFFFC0 ss:$0x1] =	vst.idx.msk $0xffff, v4  }
.Ltmp3:
0x4d: {  	v6 =	vld.idx.msk [tilespmem:v1+s19+$0xFFFFFFE0 ss:$0x1], $0xffff;
	[tilespmem:v0+s20+$0xFFFFFFD0 ss:$0x1] =	vst.idx.msk $0xffff, v3;
	(pc) =	sbr.rel @p0 .LBB1_3-.Ltmp3, $4  }
0x4e: {  	v4 =	vld.idx.msk [tilespmem:v1+s19+$0xFFFFFFF0 ss:$0x1], $0xffff;
	[tilespmem:v0+s20+$0xFFFFFFE0 ss:$0x1] =	vst.idx.msk $0xffff, v2  }
0x4f: {  	v3 =	vld.idx.msk [tilespmem:v1+s19+$0x0 ss:$0x1], $0xffff;
	[tilespmem:v0+s20+$0xFFFFFFF0 ss:$0x1] =	vst.idx.msk $0xffff, v5;
	s20 =	smov.u32 s19  }
0x50: {  	v2 =	vld.idx.msk [tilespmem:v1+s20+$0x10 ss:$0x1], $0xffff;
	[tilespmem:v0+s20+$0x0 ss:$0x1] =	vst.idx.msk $0xffff, v8  }
0x51: {  	s19 =	sshra.s32 s21, $0x2;
	s21 =	sadd.s32 $0x200, s21;
	[tilespmem:v0+s20+$0xFFFFFF90 ss:$0x1] =	vst.idx.msk $0xffff, v9;
	v5 =	vld.idx.msk [tilespmem:v1+s20+$0x20 ss:$0x1], $0xffff  }
.Ltmp4:
0x52: {  	_ = 	snop;
	(pc) =	sbr.rel .LBB1_4-.Ltmp4, $1  }
0x53: {  	_ =	sdelay $0x3  }
.LBB1_6:
0x54: {  	_ =	sfence.sel $0x180000  }
0x55: {  	s2 =	simm.s32 $0x1;
	[bflag:$0x0] =	sbarrier.arrive $0xFFFF  }
0x56: {  	s31 =	simm.s32 $0x2;
	[sflag:s2] =	ssyncpa.u1 $0x1  }
0x57: {  	[sflag:s31] =	ssyncpa.u1 $0x1  }
0x58: {  	p0 =	sne.s32 s0, $0x0;
	_ =	strace $0x90000047  }
0x59: {  	s0 =	sadd.s32 @!p0 $0x100000, s1;
	[bflag:$0x2] =	sbarrier.arrive $0xFFFF  }
0x5a: {  	[sflag:s0] =	ssyncadd.tile.s32 @!p0 $0x1;
	_ =	shalt  }
.Lfunc_end1:
_tile_overlayer_lowered:
.L_overlay_start_2:
0x5b: {  	(tag) =	ssettag $0x2  }
0x5c: {  	s0 =	rddreg [dreg:$0x0];
	s2 =	stileid.u32  }
0x5d: {  	s1 =	rddreg [dreg:$0x1];
	p0 =	sne.s32 s2, $0x0  }
0x5e: {  	s3 =	rddreg [dreg:$0x2];
	[bflag:$0x3] =	sbarrier.arrive $0xFFFF;
	s2 =	simm.s32 @!p0 $0x1C01  }
0x5f: {  	[timem:s3], [sflag:s2] =	dma.local @!p0 [hbm:s0], s1  }
0x60: {  	s0 =	simm.s32 @!p0 $0x1  }
0x61: {  	_ =	swait.ge @!p0 [sflag:s0], s1  }
0x62: {  	s1 =	ssub.s32 @!p0 $0x0, s1;
	[sflag:s0] =	ssyncset.done @!p0 $0x0  }
0x63: {  	[sflag:s0] =	ssyncadd.s32 @!p0 s1  }
0x64: {  	[bflag:$0x3] =	sbarrier.arrive $0xFFFF  }
0x65: {  	_ =	shalt  }

</sc_bundles>
